<compile_context>
chip_gen: v7x
topology: tpu7x:2x2x1
jax: 0.10.2.dev20260603
libtpu: 0.0.44.dev20260713+nightly
codegen_flags: <defaults>
</compile_context>

<pallas_src>
import jax
import jax.numpy as jnp
from jax import lax
from jax.experimental import pallas as pl
from jax.experimental.pallas import tpu as pltpu

P = 1024
Q = 1024
NH = 512
DECAY = 0.001
TB = 512

_DNT = (((1,), (1,)), ((), ()))


def _dott(x, w):
    return lax.dot_general(x, w, _DNT, preferred_element_type=jnp.float32)


def _softplus(x):
    return jnp.maximum(x, 0.0) + jnp.log(1.0 + jnp.exp(-jnp.abs(x)))


def _celu(x):
    return jnp.where(x > 0.0, x, jnp.exp(jnp.minimum(x, 0.0)) - 1.0)


def _odefunc_kernel(u_ref, aw_ref, ab_ref, fcw_ref, fcb_ref, fhw_ref, fhb_ref,
                    g1w_ref, g1b_ref, g2w_ref, g2b_ref, g3w_ref, g3b_ref,
                    out_ref):
    bf16 = jnp.bfloat16
    u = u_ref[...]
    c = u[:, :P]
    h = u[:, P:]
    cb = c.astype(bf16)
    hb = h.astype(bf16)

    h_ = _softplus(_dott(hb, aw_ref[...]) + ab_ref[...])
    hb_ = h_.astype(bf16)

    fc = _softplus(_dott(cb, fcw_ref[:, :P]) + _dott(hb_, fcw_ref[:, P:])
                   + fcb_ref[...])
    fh = _softplus(_dott(cb, fhw_ref[:, :P]) + _dott(hb_, fhw_ref[:, P:])
                   + fhb_ref[...])
    g = _celu(_dott(cb, g1w_ref[:, :P]) + _dott(hb_, g1w_ref[:, P:])
              + g1b_ref[...])
    g = _celu(_dott(g.astype(bf16), g2w_ref[...]) + g2b_ref[...])
    g = _dott(g.astype(bf16), g3w_ref[...]) + g3b_ref[...]

    out_ref[:, :P] = -fc * c + g - DECAY * c
    out_ref[:, P:] = -fh * h


def kernel(t, u, A_W, A_b, Fc_W, Fc_b, Fh_W, Fh_b,
           Gc_W1, Gc_b1, Gc_W2, Gc_b2, Gc_W3, Gc_b3):
    B = u.shape[0]
    u2 = u.reshape(B, P + Q)

    bf16 = jnp.bfloat16
    aw = A_W.astype(bf16)
    fcw = Fc_W.astype(bf16)
    fhw = Fh_W.astype(bf16)
    g1w = Gc_W1.astype(bf16)
    g2w = Gc_W2.astype(bf16)
    g3w = Gc_W3.astype(bf16)

    grid = (B // TB,)
    inv = lambda i: (0, 0)
    out = pl.pallas_call(
        _odefunc_kernel,
        grid=grid,
        in_specs=[
            pl.BlockSpec((TB, P + Q), lambda i: (i, 0)),
            pl.BlockSpec((Q, Q), inv),
            pl.BlockSpec((1, Q), inv),
            pl.BlockSpec((P, P + Q), inv),
            pl.BlockSpec((1, P), inv),
            pl.BlockSpec((Q, P + Q), inv),
            pl.BlockSpec((1, Q), inv),
            pl.BlockSpec((NH, P + Q), inv),
            pl.BlockSpec((1, NH), inv),
            pl.BlockSpec((NH, NH), inv),
            pl.BlockSpec((1, NH), inv),
            pl.BlockSpec((P, NH), inv),
            pl.BlockSpec((1, P), inv),
        ],
        out_specs=pl.BlockSpec((TB, None, P + Q), lambda i: (i, 0, 0)),
        out_shape=jax.ShapeDtypeStruct((B, 1, P + Q), jnp.float32),
        compiler_params=pltpu.CompilerParams(
            dimension_semantics=("arbitrary",),
        ),
    )(u2, aw, A_b.reshape(1, Q), fcw, Fc_b.reshape(1, P),
      fhw, Fh_b.reshape(1, Q), g1w, Gc_b1.reshape(1, NH),
      g2w, Gc_b2.reshape(1, NH), g3w, Gc_b3.reshape(1, P))

    return out

# --- scband reference (transcript-rebuilt; emitter-appended) ---
"""Pipeline reference for scband-odefunc-69303592289024 (READ-ONLY COPY).

The authoritative reference and input builder live on the scoring server;
editing this copy changes nothing except your own understanding.
"""

import jax, jax.numpy as jnp
import numpy as np

P = 1024
Q = 1024
NH = 512
B = 4096
DECAY = 0.001


def setup_inputs(seed: int = 0) -> dict:
    key = jax.random.key(seed)
    ks = jax.random.split(key, 16)
    u = jax.random.normal(ks[0], (B, 1, P + Q), dtype=jnp.float32)
    # Linear weights: init.normal_(std=0.1), bias=0, matching the torch module
    A_W = 0.1 * jax.random.normal(ks[1], (Q, 2 * Q), dtype=jnp.float32)
    A_b = jnp.zeros((Q,), dtype=jnp.float32)
    Fc_W = 0.1 * jax.random.normal(ks[2], (P, P + Q), dtype=jnp.float32)
    Fc_b = jnp.zeros((P,), dtype=jnp.float32)
    Fh_W = 0.1 * jax.random.normal(ks[3], (Q, P + Q), dtype=jnp.float32)
    Fh_b = jnp.zeros((Q,), dtype=jnp.float32)
    Gc_W1 = 0.1 * jax.random.normal(ks[4], (NH, P + Q), dtype=jnp.float32)
    Gc_b1 = jnp.zeros((NH,), dtype=jnp.float32)
    Gc_W2 = 0.1 * jax.random.normal(ks[5], (NH, NH), dtype=jnp.float32)
    Gc_b2 = jnp.zeros((NH,), dtype=jnp.float32)
    Gc_W3 = 0.1 * jax.random.normal(ks[6], (P, NH), dtype=jnp.float32)
    Gc_b3 = jnp.zeros((P,), dtype=jnp.float32)
    return {
        "t": 0,
        "u": u,
        "A_W": A_W, "A_b": A_b,
        "Fc_W": Fc_W, "Fc_b": Fc_b,
        "Fh_W": Fh_W, "Fh_b": Fh_b,
        "Gc_W1": Gc_W1, "Gc_b1": Gc_b1,
        "Gc_W2": Gc_W2, "Gc_b2": Gc_b2,
        "Gc_W3": Gc_W3, "Gc_b3": Gc_b3,
    }


def reference(t, u, A_W, A_b, Fc_W, Fc_b, Fh_W, Fh_b,
              Gc_W1, Gc_b1, Gc_W2, Gc_b2, Gc_W3, Gc_b3):
    # forward(t, u) of ODEFunc with the default single-node graph (node 0, no neighbors)
    c = u[:, :, :P]
    h = u[:, :, P:]
    # aggregate_func over empty neighbor set -> zeros of shape (B, q), stacked over the
    # single graph node -> (B, 1, q)
    agg = jnp.zeros_like(h)
    h_in = jnp.concatenate([h, agg], axis=2)  # (B, 1, 2q)
    h_ = jax.nn.softplus(jnp.einsum('bnd,qd->bnq', h_in, A_W) + A_b)
    u_ = jnp.concatenate([c, h_], axis=2)  # (B, 1, p+q)
    # Gc: Linear -> CELU -> Linear -> CELU -> Linear
    g = jax.nn.celu(jnp.einsum('bnd,hd->bnh', u_, Gc_W1) + Gc_b1)
    g = jax.nn.celu(jnp.einsum('bnh,gh->bng', g, Gc_W2) + Gc_b2)
    g = jnp.einsum('bng,pg->bnp', g, Gc_W3) + Gc_b3
    fc = jax.nn.softplus(jnp.einsum('bnd,pd->bnp', u_, Fc_W) + Fc_b)
    fh = jax.nn.softplus(jnp.einsum('bnd,qd->bnq', u_, Fh_W) + Fh_b)
    dc = -fc * c + g
    dh = -fh * h
    dc = dc - DECAY * c
    return jnp.concatenate([dc, dh], axis=2)

if __name__ == "__main__":
    import jax
    _d = setup_inputs()
    print(jax.jit(kernel)(*tuple(_d.values())))

</pallas_src>

<mosaic_0001>
module attributes {stable_mosaic.version = 14 : i64} {
  func.func @_odefunc_kernel(%arg0: i32, %arg1: memref<512x2048xf32, #tpu.memory_space<vmem>>, %arg2: memref<1024x1024xbf16, #tpu.memory_space<vmem>>, %arg3: memref<1x1024xf32, #tpu.memory_space<vmem>>, %arg4: memref<1024x2048xbf16, #tpu.memory_space<vmem>>, %arg5: memref<1x1024xf32, #tpu.memory_space<vmem>>, %arg6: memref<1024x2048xbf16, #tpu.memory_space<vmem>>, %arg7: memref<1x1024xf32, #tpu.memory_space<vmem>>, %arg8: memref<512x2048xbf16, #tpu.memory_space<vmem>>, %arg9: memref<1x512xf32, #tpu.memory_space<vmem>>, %arg10: memref<512x512xbf16, #tpu.memory_space<vmem>>, %arg11: memref<1x512xf32, #tpu.memory_space<vmem>>, %arg12: memref<1024x512xbf16, #tpu.memory_space<vmem>>, %arg13: memref<1x1024xf32, #tpu.memory_space<vmem>>, %arg14: memref<512x1x2048xf32, #tpu.memory_space<vmem>>) attributes {dimension_semantics = [#tpu.dimension_semantics<arbitrary>], iteration_bounds = array<i64: 8>, scalar_prefetch = 0 : i64, scratch_operands = 0 : i64, tpu.core_type = #tpu.core_type<tc>, window_params = [{transform_indices = @transform_0, window_bounds = array<i64: 512, 2048>}, {transform_indices = @transform_1, window_bounds = array<i64: 1024, 1024>}, {pipeline_mode = #tpu.pipeline_mode<synchronous>, transform_indices = @transform_2, window_bounds = array<i64: 1, 1024>}, {pipeline_mode = #tpu.pipeline_mode<synchronous>, transform_indices = @transform_3, window_bounds = array<i64: 1024, 2048>}, {pipeline_mode = #tpu.pipeline_mode<synchronous>, transform_indices = @transform_4, window_bounds = array<i64: 1, 1024>}, {pipeline_mode = #tpu.pipeline_mode<synchronous>, transform_indices = @transform_5, window_bounds = array<i64: 1024, 2048>}, {pipeline_mode = #tpu.pipeline_mode<synchronous>, transform_indices = @transform_6, window_bounds = array<i64: 1, 1024>}, {pipeline_mode = #tpu.pipeline_mode<synchronous>, transform_indices = @transform_7, window_bounds = array<i64: 512, 2048>}, {pipeline_mode = #tpu.pipeline_mode<synchronous>, transform_indices = @transform_8, window_bounds = array<i64: 1, 512>}, {pipeline_mode = #tpu.pipeline_mode<synchronous>, transform_indices = @transform_9, window_bounds = array<i64: 512, 512>}, {pipeline_mode = #tpu.pipeline_mode<synchronous>, transform_indices = @transform_10, window_bounds = array<i64: 1, 512>}, {pipeline_mode = #tpu.pipeline_mode<synchronous>, transform_indices = @transform_11, window_bounds = array<i64: 1024, 512>}, {pipeline_mode = #tpu.pipeline_mode<synchronous>, transform_indices = @transform_12, window_bounds = array<i64: 1, 1024>}, {transform_indices = @transform_13, window_bounds = array<i64: 512, 1, 2048>}]} {
    %get3A = arith.constant 0 : index
    %get3A_0 = arith.constant 0 : index
    %get3A_1 = vector.load %arg1[%get3A, %get3A_0] : memref<512x2048xf32, #tpu.memory_space<vmem>>, vector<512x2048xf32>
    %slice3A = vector.extract_strided_slice %get3A_1 {offsets = [0, 0], sizes = [512, 1024], strides = [1, 1]} : vector<512x2048xf32> to vector<512x1024xf32>
    %slice3A_2 = vector.extract_strided_slice %get3A_1 {offsets = [0, 1024], sizes = [512, 1024], strides = [1, 1]} : vector<512x2048xf32> to vector<512x1024xf32>
    %convert_element_type3A = arith.truncf %slice3A : vector<512x1024xf32> to vector<512x1024xbf16>
    %convert_element_type3A_3 = arith.truncf %slice3A_2 : vector<512x1024xf32> to vector<512x1024xbf16>
    %get3A_4 = arith.constant 0 : index
    %get3A_5 = arith.constant 0 : index
    %get3A_6 = vector.load %arg2[%get3A_4, %get3A_5] : memref<1024x1024xbf16, #tpu.memory_space<vmem>>, vector<1024x1024xbf16>
    %dot_general3A = arith.constant dense<0.000000e+00> : vector<512x1024xf32>
    %dot_general3A_7 = tpu.matmul %convert_element_type3A_3, %get3A_6, %dot_general3A {dimension_numbers = #tpu.dot_dimension_numbers<[1], [1], [0], [0], [0, 0, 1, 0], [], []>, transpose_lhs_hint = false} : vector<512x1024xbf16>, vector<1024x1024xbf16>, vector<512x1024xf32> -> vector<512x1024xf32>
    %get3A_8 = arith.constant 0 : index
    %get3A_9 = arith.constant 0 : index
    %get3A_10 = vector.load %arg3[%get3A_8, %get3A_9] : memref<1x1024xf32, #tpu.memory_space<vmem>>, vector<1x1024xf32>
    %add3A = vector.broadcast %get3A_10 : vector<1x1024xf32> to vector<512x1024xf32>
    %add3A_11 = arith.addf %dot_general3A_7, %add3A : vector<512x1024xf32>
    %max3A = arith.constant 0.000000e+00 : f32
    %max3A_12 = vector.broadcast %max3A : f32 to vector<512x1024xf32>
    %max3A_13 = arith.maximumf %add3A_11, %max3A_12 : vector<512x1024xf32>
    %abs3A = math.absf %add3A_11 : vector<512x1024xf32>
    %neg3A = arith.constant 0.000000e+00 : f32
    %neg3A_14 = vector.broadcast %neg3A : f32 to vector<512x1024xf32>
    %neg3A_15 = arith.subf %neg3A_14, %abs3A : vector<512x1024xf32>
    %exp3A = math.exp %neg3A_15 : vector<512x1024xf32>
    %add3A_16 = arith.constant 1.000000e+00 : f32
    %add3A_17 = vector.broadcast %add3A_16 : f32 to vector<512x1024xf32>
    %add3A_18 = arith.addf %add3A_17, %exp3A : vector<512x1024xf32>
    %log3A = math.log %add3A_18 : vector<512x1024xf32>
    %add3A_19 = arith.addf %max3A_13, %log3A : vector<512x1024xf32>
    %convert_element_type3A_20 = arith.truncf %add3A_19 : vector<512x1024xf32> to vector<512x1024xbf16>
    %get3A_21 = arith.constant 0 : index
    %get3A_22 = arith.constant 0 : index
    %get3A_23 = vector.load %arg4[%get3A_21, %get3A_22] : memref<1024x2048xbf16, #tpu.memory_space<vmem>>, vector<1024x1024xbf16>
    %dot_general3A_24 = arith.constant dense<0.000000e+00> : vector<512x1024xf32>
    %dot_general3A_25 = tpu.matmul %convert_element_type3A, %get3A_23, %dot_general3A_24 {dimension_numbers = #tpu.dot_dimension_numbers<[1], [1], [0], [0], [0, 0, 1, 0], [], []>, transpose_lhs_hint = false} : vector<512x1024xbf16>, vector<1024x1024xbf16>, vector<512x1024xf32> -> vector<512x1024xf32>
    %get3A_26 = arith.constant 0 : index
    %get3A_27 = arith.constant 1024 : index
    %get3A_28 = vector.load %arg4[%get3A_26, %get3A_27] : memref<1024x2048xbf16, #tpu.memory_space<vmem>>, vector<1024x1024xbf16>
    %dot_general3A_29 = arith.constant dense<0.000000e+00> : vector<512x1024xf32>
    %dot_general3A_30 = tpu.matmul %convert_element_type3A_20, %get3A_28, %dot_general3A_29 {dimension_numbers = #tpu.dot_dimension_numbers<[1], [1], [0], [0], [0, 0, 1, 0], [], []>, transpose_lhs_hint = false} : vector<512x1024xbf16>, vector<1024x1024xbf16>, vector<512x1024xf32> -> vector<512x1024xf32>
    %add3A_31 = arith.addf %dot_general3A_25, %dot_general3A_30 : vector<512x1024xf32>
    %get3A_32 = arith.constant 0 : index
    %get3A_33 = arith.constant 0 : index
    %get3A_34 = vector.load %arg5[%get3A_32, %get3A_33] : memref<1x1024xf32, #tpu.memory_space<vmem>>, vector<1x1024xf32>
    %add3A_35 = vector.broadcast %get3A_34 : vector<1x1024xf32> to vector<512x1024xf32>
    %add3A_36 = arith.addf %add3A_31, %add3A_35 : vector<512x1024xf32>
    %max3A_37 = arith.constant 0.000000e+00 : f32
    %max3A_38 = vector.broadcast %max3A_37 : f32 to vector<512x1024xf32>
    %max3A_39 = arith.maximumf %add3A_36, %max3A_38 : vector<512x1024xf32>
    %abs3A_40 = math.absf %add3A_36 : vector<512x1024xf32>
    %neg3A_41 = arith.constant 0.000000e+00 : f32
    %neg3A_42 = vector.broadcast %neg3A_41 : f32 to vector<512x1024xf32>
    %neg3A_43 = arith.subf %neg3A_42, %abs3A_40 : vector<512x1024xf32>
    %exp3A_44 = math.exp %neg3A_43 : vector<512x1024xf32>
    %add3A_45 = arith.constant 1.000000e+00 : f32
    %add3A_46 = vector.broadcast %add3A_45 : f32 to vector<512x1024xf32>
    %add3A_47 = arith.addf %add3A_46, %exp3A_44 : vector<512x1024xf32>
    %log3A_48 = math.log %add3A_47 : vector<512x1024xf32>
    %add3A_49 = arith.addf %max3A_39, %log3A_48 : vector<512x1024xf32>
    %get3A_50 = arith.constant 0 : index
    %get3A_51 = arith.constant 0 : index
    %get3A_52 = vector.load %arg6[%get3A_50, %get3A_51] : memref<1024x2048xbf16, #tpu.memory_space<vmem>>, vector<1024x1024xbf16>
    %dot_general3A_53 = arith.constant dense<0.000000e+00> : vector<512x1024xf32>
    %dot_general3A_54 = tpu.matmul %convert_element_type3A, %get3A_52, %dot_general3A_53 {dimension_numbers = #tpu.dot_dimension_numbers<[1], [1], [0], [0], [0, 0, 1, 0], [], []>, transpose_lhs_hint = false} : vector<512x1024xbf16>, vector<1024x1024xbf16>, vector<512x1024xf32> -> vector<512x1024xf32>
    %get3A_55 = arith.constant 0 : index
    %get3A_56 = arith.constant 1024 : index
    %get3A_57 = vector.load %arg6[%get3A_55, %get3A_56] : memref<1024x2048xbf16, #tpu.memory_space<vmem>>, vector<1024x1024xbf16>
    %dot_general3A_58 = arith.constant dense<0.000000e+00> : vector<512x1024xf32>
    %dot_general3A_59 = tpu.matmul %convert_element_type3A_20, %get3A_57, %dot_general3A_58 {dimension_numbers = #tpu.dot_dimension_numbers<[1], [1], [0], [0], [0, 0, 1, 0], [], []>, transpose_lhs_hint = false} : vector<512x1024xbf16>, vector<1024x1024xbf16>, vector<512x1024xf32> -> vector<512x1024xf32>
    %add3A_60 = arith.addf %dot_general3A_54, %dot_general3A_59 : vector<512x1024xf32>
    %get3A_61 = arith.constant 0 : index
    %get3A_62 = arith.constant 0 : index
    %get3A_63 = vector.load %arg7[%get3A_61, %get3A_62] : memref<1x1024xf32, #tpu.memory_space<vmem>>, vector<1x1024xf32>
    %add3A_64 = vector.broadcast %get3A_63 : vector<1x1024xf32> to vector<512x1024xf32>
    %add3A_65 = arith.addf %add3A_60, %add3A_64 : vector<512x1024xf32>
    %max3A_66 = arith.constant 0.000000e+00 : f32
    %max3A_67 = vector.broadcast %max3A_66 : f32 to vector<512x1024xf32>
    %max3A_68 = arith.maximumf %add3A_65, %max3A_67 : vector<512x1024xf32>
    %abs3A_69 = math.absf %add3A_65 : vector<512x1024xf32>
    %neg3A_70 = arith.constant 0.000000e+00 : f32
    %neg3A_71 = vector.broadcast %neg3A_70 : f32 to vector<512x1024xf32>
    %neg3A_72 = arith.subf %neg3A_71, %abs3A_69 : vector<512x1024xf32>
    %exp3A_73 = math.exp %neg3A_72 : vector<512x1024xf32>
    %add3A_74 = arith.constant 1.000000e+00 : f32
    %add3A_75 = vector.broadcast %add3A_74 : f32 to vector<512x1024xf32>
    %add3A_76 = arith.addf %add3A_75, %exp3A_73 : vector<512x1024xf32>
    %log3A_77 = math.log %add3A_76 : vector<512x1024xf32>
    %add3A_78 = arith.addf %max3A_68, %log3A_77 : vector<512x1024xf32>
    %get3A_79 = arith.constant 0 : index
    %get3A_80 = arith.constant 0 : index
    %get3A_81 = vector.load %arg8[%get3A_79, %get3A_80] : memref<512x2048xbf16, #tpu.memory_space<vmem>>, vector<512x1024xbf16>
    %dot_general3A_82 = arith.constant dense<0.000000e+00> : vector<512x512xf32>
    %dot_general3A_83 = tpu.matmul %convert_element_type3A, %get3A_81, %dot_general3A_82 {dimension_numbers = #tpu.dot_dimension_numbers<[1], [1], [0], [0], [0, 0, 1, 0], [], []>, transpose_lhs_hint = false} : vector<512x1024xbf16>, vector<512x1024xbf16>, vector<512x512xf32> -> vector<512x512xf32>
    %get3A_84 = arith.constant 0 : index
    %get3A_85 = arith.constant 1024 : index
    %get3A_86 = vector.load %arg8[%get3A_84, %get3A_85] : memref<512x2048xbf16, #tpu.memory_space<vmem>>, vector<512x1024xbf16>
    %dot_general3A_87 = arith.constant dense<0.000000e+00> : vector<512x512xf32>
    %dot_general3A_88 = tpu.matmul %convert_element_type3A_20, %get3A_86, %dot_general3A_87 {dimension_numbers = #tpu.dot_dimension_numbers<[1], [1], [0], [0], [0, 0, 1, 0], [], []>, transpose_lhs_hint = false} : vector<512x1024xbf16>, vector<512x1024xbf16>, vector<512x512xf32> -> vector<512x512xf32>
    %add3A_89 = arith.addf %dot_general3A_83, %dot_general3A_88 : vector<512x512xf32>
    %get3A_90 = arith.constant 0 : index
    %get3A_91 = arith.constant 0 : index
    %get3A_92 = vector.load %arg9[%get3A_90, %get3A_91] : memref<1x512xf32, #tpu.memory_space<vmem>>, vector<1x512xf32>
    %add3A_93 = vector.broadcast %get3A_92 : vector<1x512xf32> to vector<512x512xf32>
    %add3A_94 = arith.addf %add3A_89, %add3A_93 : vector<512x512xf32>
    %gt3A = arith.constant 0.000000e+00 : f32
    %gt3A_95 = vector.broadcast %gt3A : f32 to vector<512x512xf32>
    %gt3A_96 = arith.cmpf ogt, %add3A_94, %gt3A_95 : vector<512x512xf32>
    %min3A = arith.constant 0.000000e+00 : f32
    %min3A_97 = vector.broadcast %min3A : f32 to vector<512x512xf32>
    %min3A_98 = arith.minimumf %add3A_94, %min3A_97 : vector<512x512xf32>
    %exp3A_99 = math.exp %min3A_98 : vector<512x512xf32>
    %sub3A = arith.constant 1.000000e+00 : f32
    %sub3A_100 = vector.broadcast %sub3A : f32 to vector<512x512xf32>
    %sub3A_101 = arith.subf %exp3A_99, %sub3A_100 : vector<512x512xf32>
    %select_n3A = arith.select %gt3A_96, %add3A_94, %sub3A_101 : vector<512x512xi1>, vector<512x512xf32>
    %convert_element_type3A_102 = arith.truncf %select_n3A : vector<512x512xf32> to vector<512x512xbf16>
    %get3A_103 = arith.constant 0 : index
    %get3A_104 = arith.constant 0 : index
    %get3A_105 = vector.load %arg10[%get3A_103, %get3A_104] : memref<512x512xbf16, #tpu.memory_space<vmem>>, vector<512x512xbf16>
    %dot_general3A_106 = arith.constant dense<0.000000e+00> : vector<512x512xf32>
    %dot_general3A_107 = tpu.matmul %convert_element_type3A_102, %get3A_105, %dot_general3A_106 {dimension_numbers = #tpu.dot_dimension_numbers<[1], [1], [0], [0], [0, 0, 1, 0], [], []>, transpose_lhs_hint = false} : vector<512x512xbf16>, vector<512x512xbf16>, vector<512x512xf32> -> vector<512x512xf32>
    %get3A_108 = arith.constant 0 : index
    %get3A_109 = arith.constant 0 : index
    %get3A_110 = vector.load %arg11[%get3A_108, %get3A_109] : memref<1x512xf32, #tpu.memory_space<vmem>>, vector<1x512xf32>
    %add3A_111 = vector.broadcast %get3A_110 : vector<1x512xf32> to vector<512x512xf32>
    %add3A_112 = arith.addf %dot_general3A_107, %add3A_111 : vector<512x512xf32>
    %gt3A_113 = arith.constant 0.000000e+00 : f32
    %gt3A_114 = vector.broadcast %gt3A_113 : f32 to vector<512x512xf32>
    %gt3A_115 = arith.cmpf ogt, %add3A_112, %gt3A_114 : vector<512x512xf32>
    %min3A_116 = arith.constant 0.000000e+00 : f32
    %min3A_117 = vector.broadcast %min3A_116 : f32 to vector<512x512xf32>
    %min3A_118 = arith.minimumf %add3A_112, %min3A_117 : vector<512x512xf32>
    %exp3A_119 = math.exp %min3A_118 : vector<512x512xf32>
    %sub3A_120 = arith.constant 1.000000e+00 : f32
    %sub3A_121 = vector.broadcast %sub3A_120 : f32 to vector<512x512xf32>
    %sub3A_122 = arith.subf %exp3A_119, %sub3A_121 : vector<512x512xf32>
    %select_n3A_123 = arith.select %gt3A_115, %add3A_112, %sub3A_122 : vector<512x512xi1>, vector<512x512xf32>
    %convert_element_type3A_124 = arith.truncf %select_n3A_123 : vector<512x512xf32> to vector<512x512xbf16>
    %get3A_125 = arith.constant 0 : index
    %get3A_126 = arith.constant 0 : index
    %get3A_127 = vector.load %arg12[%get3A_125, %get3A_126] : memref<1024x512xbf16, #tpu.memory_space<vmem>>, vector<1024x512xbf16>
    %dot_general3A_128 = arith.constant dense<0.000000e+00> : vector<512x1024xf32>
    %dot_general3A_129 = tpu.matmul %convert_element_type3A_124, %get3A_127, %dot_general3A_128 {dimension_numbers = #tpu.dot_dimension_numbers<[1], [1], [0], [0], [0, 0, 1, 0], [], []>, transpose_lhs_hint = false} : vector<512x512xbf16>, vector<1024x512xbf16>, vector<512x1024xf32> -> vector<512x1024xf32>
    %get3A_130 = arith.constant 0 : index
    %get3A_131 = arith.constant 0 : index
    %get3A_132 = vector.load %arg13[%get3A_130, %get3A_131] : memref<1x1024xf32, #tpu.memory_space<vmem>>, vector<1x1024xf32>
    %add3A_133 = vector.broadcast %get3A_132 : vector<1x1024xf32> to vector<512x1024xf32>
    %add3A_134 = arith.addf %dot_general3A_129, %add3A_133 : vector<512x1024xf32>
    %neg3A_135 = arith.constant 0.000000e+00 : f32
    %neg3A_136 = vector.broadcast %neg3A_135 : f32 to vector<512x1024xf32>
    %neg3A_137 = arith.subf %neg3A_136, %add3A_49 : vector<512x1024xf32>
    %mul3A = arith.mulf %neg3A_137, %slice3A : vector<512x1024xf32>
    %add3A_138 = arith.addf %mul3A, %add3A_134 : vector<512x1024xf32>
    %mul3A_139 = arith.constant 1.000000e-03 : f32
    %mul3A_140 = vector.broadcast %mul3A_139 : f32 to vector<512x1024xf32>
    %mul3A_141 = arith.mulf %mul3A_140, %slice3A : vector<512x1024xf32>
    %sub3A_142 = arith.subf %add3A_138, %mul3A_141 : vector<512x1024xf32>
    %swap3A = arith.constant 0 : index
    %swap3A_143 = arith.constant 0 : index
    %swap3A_144 = arith.constant 0 : index
    %swap3A_145 = vector.load %arg14[%swap3A, %swap3A_143, %swap3A_144] : memref<512x1x2048xf32, #tpu.memory_space<vmem>>, vector<512x1x1024xf32>
    %swap3A_146 = vector.shape_cast %swap3A_145 : vector<512x1x1024xf32> to vector<512x1024xf32>
    %swap3A_147 = vector.shape_cast %sub3A_142 : vector<512x1024xf32> to vector<512x1x1024xf32>
    tpu.vector_store %arg14[%swap3A, %swap3A_143, %swap3A_144], %swap3A_147 {strides = array<i32>} : memref<512x1x2048xf32, #tpu.memory_space<vmem>>, vector<512x1x1024xf32>,
    %neg3A_148 = arith.constant 0.000000e+00 : f32
    %neg3A_149 = vector.broadcast %neg3A_148 : f32 to vector<512x1024xf32>
    %neg3A_150 = arith.subf %neg3A_149, %add3A_78 : vector<512x1024xf32>
    %mul3A_151 = arith.mulf %neg3A_150, %slice3A_2 : vector<512x1024xf32>
    %swap3A_152 = arith.constant 0 : index
    %swap3A_153 = arith.constant 0 : index
    %swap3A_154 = arith.constant 1024 : index
    %swap3A_155 = vector.load %arg14[%swap3A_152, %swap3A_153, %swap3A_154] : memref<512x1x2048xf32, #tpu.memory_space<vmem>>, vector<512x1x1024xf32>
    %swap3A_156 = vector.shape_cast %swap3A_155 : vector<512x1x1024xf32> to vector<512x1024xf32>
    %swap3A_157 = vector.shape_cast %mul3A_151 : vector<512x1024xf32> to vector<512x1x1024xf32>
    tpu.vector_store %arg14[%swap3A_152, %swap3A_153, %swap3A_154], %swap3A_157 {strides = array<i32>} : memref<512x1x2048xf32, #tpu.memory_space<vmem>>, vector<512x1x1024xf32>,
    return
  }
  func.func @transform_0(%arg0: i32) -> (i32, i32) {
    %c0_i32 = arith.constant 0 : i32
    %c0_i32_0 = arith.constant 0 : i32
    return %arg0, %c0_i32 : i32, i32
  }
  func.func @transform_1(%arg0: i32) -> (i32, i32) {
    %c0_i32 = arith.constant 0 : i32
    %c0_i32_0 = arith.constant 0 : i32
    %c0_i32_1 = arith.constant 0 : i32
    return %c0_i32, %c0_i32_0 : i32, i32
  }
  func.func @transform_2(%arg0: i32) -> (i32, i32) {
    %c0_i32 = arith.constant 0 : i32
    %c0_i32_0 = arith.constant 0 : i32
    %c0_i32_1 = arith.constant 0 : i32
    return %c0_i32, %c0_i32_0 : i32, i32
  }
  func.func @transform_3(%arg0: i32) -> (i32, i32) {
    %c0_i32 = arith.constant 0 : i32
    %c0_i32_0 = arith.constant 0 : i32
    %c0_i32_1 = arith.constant 0 : i32
    return %c0_i32, %c0_i32_0 : i32, i32
  }
  func.func @transform_4(%arg0: i32) -> (i32, i32) {
    %c0_i32 = arith.constant 0 : i32
    %c0_i32_0 = arith.constant 0 : i32
    %c0_i32_1 = arith.constant 0 : i32
    return %c0_i32, %c0_i32_0 : i32, i32
  }
  func.func @transform_5(%arg0: i32) -> (i32, i32) {
    %c0_i32 = arith.constant 0 : i32
    %c0_i32_0 = arith.constant 0 : i32
    %c0_i32_1 = arith.constant 0 : i32
    return %c0_i32, %c0_i32_0 : i32, i32
  }
  func.func @transform_6(%arg0: i32) -> (i32, i32) {
    %c0_i32 = arith.constant 0 : i32
    %c0_i32_0 = arith.constant 0 : i32
    %c0_i32_1 = arith.constant 0 : i32
    return %c0_i32, %c0_i32_0 : i32, i32
  }
  func.func @transform_7(%arg0: i32) -> (i32, i32) {
    %c0_i32 = arith.constant 0 : i32
    %c0_i32_0 = arith.constant 0 : i32
    %c0_i32_1 = arith.constant 0 : i32
    return %c0_i32, %c0_i32_0 : i32, i32
  }
  func.func @transform_8(%arg0: i32) -> (i32, i32) {
    %c0_i32 = arith.constant 0 : i32
    %c0_i32_0 = arith.constant 0 : i32
    %c0_i32_1 = arith.constant 0 : i32
    return %c0_i32, %c0_i32_0 : i32, i32
  }
  func.func @transform_9(%arg0: i32) -> (i32, i32) {
    %c0_i32 = arith.constant 0 : i32
    %c0_i32_0 = arith.constant 0 : i32
    %c0_i32_1 = arith.constant 0 : i32
    return %c0_i32, %c0_i32_0 : i32, i32
  }
  func.func @transform_10(%arg0: i32) -> (i32, i32) {
    %c0_i32 = arith.constant 0 : i32
    %c0_i32_0 = arith.constant 0 : i32
    %c0_i32_1 = arith.constant 0 : i32
    return %c0_i32, %c0_i32_0 : i32, i32
  }
  func.func @transform_11(%arg0: i32) -> (i32, i32) {
    %c0_i32 = arith.constant 0 : i32
    %c0_i32_0 = arith.constant 0 : i32
    %c0_i32_1 = arith.constant 0 : i32
    return %c0_i32, %c0_i32_0 : i32, i32
  }
  func.func @transform_12(%arg0: i32) -> (i32, i32) {
    %c0_i32 = arith.constant 0 : i32
    %c0_i32_0 = arith.constant 0 : i32
    %c0_i32_1 = arith.constant 0 : i32
    return %c0_i32, %c0_i32_0 : i32, i32
  }
  func.func @transform_13(%arg0: i32) -> (i32, i32, i32) {
    %c0_i32 = arith.constant 0 : i32
    %c0_i32_0 = arith.constant 0 : i32
    %c0_i32_1 = arith.constant 0 : i32
    return %arg0, %c0_i32, %c0_i32_0 : i32, i32, i32
  }
}

</mosaic_0001>

<sc_bundles>
// kernel: sparse-core-data-format-call.cloned.1.call-start
scs
called_computation_lowered:
.L_overlay_start_0:
0x0: {  	s2 =	sld [smem:$0x3FD9]  }
0x1: {  	s3 =	sld [smem:$0x3FFE];
	_ =	sdelay $0x1  }
0x2: {  	s1 =	srdreg.scid  }
0x3: {  	s0 =	sand.u32 $0x1, s1  }
0x4: {  	s18 =	sshll.u32 s0, $0xA;
	s2 =	sadd.s32 s3, s2  }
0x5: {  	s2 =	sadd.s32 s2, s18  }
0x6: {  	[smem:$0x3FBB] =	sst s2  }
0x7: {  	_ = 	snop  }
0x8: {  	s2 =	sld [smem:$0x3FC9];
	(tm) =	ssettm $0x1  }
0x9: {  	s19 =	sld [smem:$0x3FFB];
	_ =	sdelay $0x3  }
0xa: {  	_ =	strace s19  }
0xb: {  	s3 =	sld [smem:$0x3FFC];
	_ =	sdelay $0x3  }
0xc: {  	_ =	strace s3  }
0xd: {  	s3 =	sld [smem:$0x3FFD];
	_ =	sdelay $0x3  }
0xe: {  	_ =	strace s3  }
0xf: {  	_ =	strace $0x8FFFFFFF  }
0x10: {  	s20 =	sld [smem:$0x3FDB];
	_ =	sdelay $0x1  }
0x11: {  	s4 =	simm.s32 $_scs_section_size  }
0x12: {  	s5 =	simm.s32 $_size__tile_overlayer_lowered;
	s6 =	simm.s32 $_tile_overlayer_lowered  }
0x13: {  	s23 =	simm.s32 $0x1BFF;
	s22 =	sshll.u32 s6, $0x1;
	s3 =	sadd.s32 s4, s20  }
0x14: {  	s7 =	simm.s32 $0x0;
	s21 =	sshll.u32 s5, $0x1;
	s5 =	sadd.s32 s22, s3  }
0x15: {  	[timem:s7], [sflag:s23] =	dma.local [hbm:s5], s21  }
0x16: {  	_ =	swait.ge [sflag:s23], s21  }
0x17: {  	s4 =	ssub.s32 $0x0, s21;
	[sflag:s23] =	ssyncset.done $0x0  }
0x18: {  	[sflag:s23] =	ssyncadd.s32 s4;
	_ =	sdelay $0x1  }
0x19: {  	s24 =	simm.s32 $0x1B8B  }
0x1a: {  	_ =	swait.ge [sflag:s24], $0x1  }
0x1b: {  	[sflag:s24] =	ssyncset.done $0x0  }
0x1c: {  	s26 =	simm.s32 $0x1B8E;
	s25 =	sld [smem:$0x3FFE];
	[sflag:s24] =	ssyncadd.s32 $0xFFFFFFFF  }
0x1d: {  	s27 =	simm.s32 $execute0_lowered;
	[smem:$0x3FD2] =	sst s26  }
0x1e: {  	s5 =	sshll.u32 s27, $0x1;
	_ =	strace $0x80000046;
	[dreg:$0x1] =	wrdreg $0xFFFFFFFF  }
0x1f: {  	s28 =	simm.s32 $_size_execute0_lowered;
	s3 =	sadd.s32 s3, s5;
	[dreg:$0x0] =	wrdreg $0x0  }
0x20: {  	s5 =	sshll.u32 s28, $0x1;
	[dreg:$0x2] =	wrdreg s3  }
0x21: {  	[dreg:$0x3] =	wrdreg s5  }
0x22: {  	[dreg:$0x4] =	wrdreg $0xC0  }
0x23: {  	_ =	task [dreg:s7], $0x5FFFF  }
0x24: {  	[dreg:$0x1] =	wrdreg $0xFFFFFFFF  }
0x25: {  	[dreg:$0x0] =	wrdreg $0x60  }
0x26: {  	[dreg:$0x2] =	wrdreg s2  }
0x27: {  	[dreg:$0x3] =	wrdreg s25  }
0x28: {  	[dreg:$0x4] =	wrdreg $0x9  }
0x29: {  	_ =	task.clear_ibuf [dreg:s7], $0x5FFFF;
	_ =	strace $0x90000046  }
0x2a: {  	s29 =	simm.s32 $0x9;
	_ =	strace $0x80000048  }
0x2b: {  	_ =	swait.ge [sflag:s29], $0x1  }
0x2c: {  	[sflag:s29] =	ssyncadd.s32 $0xFFFFFFFF  }
0x2d: {  	_ =	strace $0x90000048  }
0x2e: {  	_ =	sfence  }
0x2f: {  	s30 =	sld [smem:$0x0];
	_ =	sdelay $0x2  }
0x30: {  	s31 =	sshll.u32 s1, $0xD;
	s1 =	sshrl.u32 s1, $0x2  }
0x31: {  	s3 =	sand.u32 $0x4000, s31;
	s1 =	sadd.s32 s1, s30  }
0x32: {  	s0 =	sor.u32 s3, s0;
	s1 =	sshll.u32 s1, $0x11  }
0x33: {  	s0 =	sor.u32 s1, s0  }
0x34: {  	s0 =	sadd.s32 $0x8F2B, s0  }
0x35: {  	[sflag:s0] =	ssyncadd.remote.s32 $0x1  }
0x36: {  	_ =	sfence.sel $0xFFFF  }
0x37: {  	[dreg:$0x0] =	wrdreg $0xFFFFFFFF;
	(pc) =	sbr.abs _section_cstart, $3  }
0x38: {  	[dreg:$0x1] =	wrdreg $0xFFFFFFFF  }
0x39: {  	_ =	task.clear_ibuf [dreg:s7], $0x2FFFF;
	_ =	strace $0x9FFFFFFF  }
0x3a: {  	(tm) =	ssettm $0x7FFFFFFF  }
0x3b: {  	_ =	shalt  }
tec
execute0_lowered:
.L_overlay_start_1:
0x0: {  	(tag) =	ssettag $0x1  }
0x1: {  	s0 =	srdreg.scid  }
0x2: {  	s1 =	sshll.u32 s0, $0x4  }
0x3: {  	s2 =	rddreg [dreg:$0x0];
	s0 =	stileid.u32;
	s1 =	sand.u32 $0x10, s1  }
0x4: {  	s4 =	rddreg [dreg:$0x1];
	s7 =	simm.s32 $0x1;
	s1 =	sor.u32 s0, s1  }
0x5: {  	s8 =	simm.s32 $0x2;
	s9 =	simm.s32 $0x0;
	s3 =	sshll.u32 s1, $0x3  }
0x6: {  	s12 =	simm.s32 $0x0;
	s11 =	simm.s32 $0x0;
	s6 =	ssub.s32 $0x1000, s3  }
.Ltmp0:
0x7: {  	s4 =	sadd.s32 $0x2E00, s4;
	s5 =	sand.u32 $0xF8, s6;
	(pc) =	sbr.rel .LBB1_1-.Ltmp0, $4  }
0x8: {  	s1 =	rddreg [dreg:$0x2];
	_ =	strace $0x80000047;
	p0 =	sne.s32 s5, $0x0  }
0x9: {  	s6 =	sshrl.u32 s6, $0x8;
	s5 =	simm.s32 $0x1;
	s7 =	simm.s32 @!p0 $0x0  }
0xa: {  	s10 =	smov.u32 s3;
	[sflag:s5] =	ssyncpa.u1 $0x0;
	s6 =	sadd.s32 s7, s6  }
0xb: {  	[sflag:s8] =	ssyncpa.u1 $0x0;
	s8 =	simm.s32 $0x0;
	s7 =	sadd.s32 $0x1, s6  }
.LBB1_7:
0xc: {  	s14 =	sadd.s32 $0x100, s10  }
0xd: {  	p1 =	sgt.s32 s14, $0xFFF  }
0xe: {  	s14 =	smov.u32 @p1 s3;
	p1 =	sne.s32 s11, s7  }
.Ltmp1:
0xf: {  	p0 =	slt.u32 s11, $0x2;
	(pc) =	sbr.rel @!p1 .LBB1_8-.Ltmp1, $4  }
0x10: {  	s13 =	simm.s32 @!p0 $0x2  }
0x11: {  	s15 =	sadd.s32 $0x1, s11;
	_ =	swait.ge @!p0 [sflag:s13], $0x4000  }
0x12: {  	s12 =	smov.u32 s10;
	s9 =	sadd.s32 $0x4000, s9;
	[sflag:s13] =	ssyncset.done @!p0 $0x0  }
0x13: {  	s11 =	smov.u32 s15;
	s10 =	smov.u32 s14;
	[sflag:s13] =	ssyncadd.s32 @!p0 $0xFFFFC000  }
.LBB1_1:
0x14: {  	p0 =	sge.u32 s11, s6  }
0x15: {  	s13 =	sxor.u32 @!p0 $0xFFFFFFFF, s11  }
0x16: {  	s31 =	sadd.s32 $0xFFFFFFFF, s11;
	s14 =	sshll.u32 @!p0 s10, $0x8;
	s13 =	sshll.u32 @!p0 s13, $0xE  }
0x17: {  	s15 =	simm.s32 @!p0 $0x0;
	s14 =	sadd.s32 @!p0 s2, s14;
	s13 =	sand.u32 @!p0 $0x4000, s13  }
0x18: {  	[tilespmem:s13], [sflag:$0x1] =	stream.linear.gather @!p0 [hbm4b:s14+s15], $0x4000, $0x38;
	[tilespmem:$0x10000] =	vst v63  }
0x19: {  	p0 =	sge.u32 s31, s6  }
.Ltmp2:
0x1a: {  	_ = 	snop;
	(pc) =	sbr.rel @p0 .LBB1_7-.Ltmp2, $1  }
0x1b: {  	_ =	sdelay $0x3  }
0x1c: {  	s13 =	sand.u32 $0x4000, s9  }
0x1d: {  	_ =	swait.ge [sflag:s5], $0x4000;
	s16 =	sshll.u32 s11, $0xE;
	s14 =	sor.u32 $0x100, s13  }
0x1e: {  	s15 =	sor.u32 $0x8800, s13;
	[sflag:s5] =	ssyncset.done $0x0;
	s31 =	sand.u32 $0x4000, s16  }
0x1f: {  	s16 =	simm.s32 $0x0;
	[sflag:s5] =	ssyncadd.s32 $0xFFFFC000;
	s13 =	sor.u32 $0x8000, s31  }
.LBB1_3:
0x20: {  	v0 =	vld [tilespmem:s14+$0xF0]  }
0x21: {  	v1 =	vld [tilespmem:s14+$0xFFFFFF10]  }
0x22: {  	v2 =	vld [tilespmem:s14+$0xFFFFFF20]  }
0x23: {  	v3 =	vld [tilespmem:s14+$0xFFFFFF30]  }
0x24: {  	v4 =	vld [tilespmem:s14+$0xFFFFFF40]  }
0x25: {  	v5 =	vld [tilespmem:s14+$0xFFFFFF50];
	[tilespmem:s15+$0x470] =	vst v0  }
0x26: {  	[tilespmem:s15+$0xFFFFF810] =	vst v1;
	v0 =	vld [tilespmem:s14+$0xFFFFFF60]  }
0x27: {  	[tilespmem:s15+$0xFFFFF820] =	vst v2;
	v1 =	vld [tilespmem:s14+$0xFFFFFF70]  }
0x28: {  	[tilespmem:s15+$0xFFFFF830] =	vst v3;
	v2 =	vld [tilespmem:s14+$0xFFFFFF80]  }
0x29: {  	[tilespmem:s15+$0xFFFFF840] =	vst v4;
	v3 =	vld [tilespmem:s14+$0xFFFFFF90]  }
0x2a: {  	[tilespmem:s15+$0xFFFFF850] =	vst v5;
	v4 =	vld [tilespmem:s14+$0xFFFFFFA0]  }
0x2b: {  	v5 =	vld [tilespmem:s14+$0xA0];
	[tilespmem:s15+$0xFFFFF860] =	vst v0  }
0x2c: {  	v0 =	vld [tilespmem:s14+$0xFFFFFFB0];
	[tilespmem:s15+$0xFFFFF870] =	vst v1  }
0x2d: {  	v1 =	vld [tilespmem:s14+$0xFFFFFFC0];
	[tilespmem:s15+$0xFFFFFC00] =	vst v2  }
0x2e: {  	[tilespmem:s15+$0xFFFFFC10] =	vst v3;
	v3 =	vld [tilespmem:s14+$0xFFFFFFE0]  }
0x2f: {  	[tilespmem:s15+$0xFFFFFC20] =	vst v4;
	v4 =	vld [tilespmem:s14+$0xFFFFFFF0]  }
0x30: {  	v2 =	vld [tilespmem:s14+$0xFFFFFFD0];
	[tilespmem:s15+$0x420] =	vst v5  }
0x31: {  	[tilespmem:s15+$0xFFFFFC30] =	vst v0;
	v0 =	vld [tilespmem:s14+$0x0]  }
0x32: {  	[tilespmem:s15+$0xFFFFFC40] =	vst v1;
	v1 =	vld [tilespmem:s14+$0x10]  }
0x33: {  	[tilespmem:s15+$0xFFFFFC60] =	vst v3;
	v3 =	vld [tilespmem:s14+$0x30]  }
0x34: {  	[tilespmem:s15+$0xFFFFFC70] =	vst v4;
	v4 =	vld [tilespmem:s14+$0x40]  }
0x35: {  	[tilespmem:s15+$0xFFFFFC50] =	vst v2;
	v2 =	vld [tilespmem:s14+$0x20]  }
0x36: {  	[tilespmem:s15+$0x0] =	vst v0;
	v0 =	vld [tilespmem:s14+$0x50]  }
0x37: {  	[tilespmem:s15+$0x10] =	vst v1;
	v1 =	vld [tilespmem:s14+$0x60]  }
0x38: {  	[tilespmem:s15+$0x30] =	vst v3;
	v3 =	vld [tilespmem:s14+$0x80]  }
0x39: {  	[tilespmem:s15+$0x40] =	vst v4;
	v4 =	vld [tilespmem:s14+$0x90]  }
0x3a: {  	[tilespmem:s15+$0x20] =	vst v2;
	v2 =	vld [tilespmem:s14+$0x70]  }
0x3b: {  	[tilespmem:s15+$0x50] =	vst v0;
	v0 =	vld [tilespmem:s14+$0xB0]  }
0x3c: {  	[tilespmem:s15+$0x60] =	vst v1;
	v1 =	vld [tilespmem:s14+$0xC0]  }
0x3d: {  	[tilespmem:s15+$0x400] =	vst v3;
	v3 =	vld [tilespmem:s14+$0xD0]  }
0x3e: {  	[tilespmem:s15+$0x410] =	vst v4;
	v4 =	vld [tilespmem:s14+$0xE0]  }
0x3f: {  	s18 =	simm.s32 $0x0;
	s19 =	sadd.s32 $0x200, s14;
	s17 =	smov.u32 s15;
	[tilespmem:s15+$0x70] =	vst v2;
	v2 =	vld [tilespmem:s14+$0xFFFFFF00]  }
.LBB1_4:
0x40: {  	v5 =	vld [tilespmem:s19+$0xF0];
	s18 =	sadd.s32 $0x200, s18;
	[tilespmem:s17+$0x430] =	vst v0  }
0x41: {  	v0 =	vld [tilespmem:s19+$0xFFFFFF10];
	p0 =	slt.u32 s18, $0x600;
	[tilespmem:s17+$0x440] =	vst v1  }
0x42: {  	v1 =	vld [tilespmem:s19+$0xFFFFFF20];
	[tilespmem:s17+$0x450] =	vst v3  }
0x43: {  	v3 =	vld [tilespmem:s19+$0xFFFFFF30];
	[tilespmem:s17+$0x460] =	vst v4  }
0x44: {  	v4 =	vld [tilespmem:s19+$0xFFFFFF40];
	[tilespmem:s17+$0xFFFFF800] =	vst v2;
	s17 =	sadd.s32 $0x1000, s17  }
0x45: {  	v2 =	vld [tilespmem:s19+$0xFFFFFF50];
	[tilespmem:s17+$0x470] =	vst v5  }
0x46: {  	[tilespmem:s17+$0xFFFFF810] =	vst v0;
	v0 =	vld [tilespmem:s19+$0xFFFFFF60]  }
0x47: {  	[tilespmem:s17+$0xFFFFF820] =	vst v1;
	v1 =	vld [tilespmem:s19+$0xFFFFFF70]  }
0x48: {  	[tilespmem:s17+$0xFFFFF830] =	vst v3;
	v3 =	vld [tilespmem:s19+$0xFFFFFF80]  }
0x49: {  	[tilespmem:s17+$0xFFFFF840] =	vst v4;
	v4 =	vld [tilespmem:s19+$0xFFFFFF90]  }
0x4a: {  	[tilespmem:s17+$0xFFFFF850] =	vst v2;
	v2 =	vld [tilespmem:s19+$0xFFFFFFA0]  }
0x4b: {  	[tilespmem:s17+$0xFFFFF860] =	vst v0;
	v0 =	vld [tilespmem:s19+$0xFFFFFFB0]  }
0x4c: {  	[tilespmem:s17+$0xFFFFF870] =	vst v1;
	v1 =	vld [tilespmem:s19+$0xFFFFFFC0]  }
0x4d: {  	[tilespmem:s17+$0xFFFFFC00] =	vst v3;
	v3 =	vld [tilespmem:s19+$0xFFFFFFD0]  }
0x4e: {  	[tilespmem:s17+$0xFFFFFC10] =	vst v4;
	v4 =	vld [tilespmem:s19+$0xFFFFFFE0]  }
0x4f: {  	[tilespmem:s17+$0xFFFFFC20] =	vst v2;
	v2 =	vld [tilespmem:s19+$0xFFFFFFF0]  }
0x50: {  	[tilespmem:s17+$0xFFFFFC30] =	vst v0;
	v0 =	vld [tilespmem:s19+$0x0]  }
0x51: {  	[tilespmem:s17+$0xFFFFFC40] =	vst v1;
	v1 =	vld [tilespmem:s19+$0x10]  }
0x52: {  	[tilespmem:s17+$0xFFFFFC50] =	vst v3;
	v3 =	vld [tilespmem:s19+$0x20]  }
0x53: {  	[tilespmem:s17+$0xFFFFFC60] =	vst v4;
	v4 =	vld [tilespmem:s19+$0x30]  }
0x54: {  	[tilespmem:s17+$0xFFFFFC70] =	vst v2;
	v2 =	vld [tilespmem:s19+$0x40]  }
0x55: {  	[tilespmem:s17+$0x0] =	vst v0;
	v0 =	vld [tilespmem:s19+$0x50]  }
0x56: {  	[tilespmem:s17+$0x10] =	vst v1;
	v1 =	vld [tilespmem:s19+$0x60]  }
0x57: {  	[tilespmem:s17+$0x20] =	vst v3;
	v3 =	vld [tilespmem:s19+$0x70]  }
0x58: {  	[tilespmem:s17+$0x30] =	vst v4;
	v4 =	vld [tilespmem:s19+$0x80]  }
0x59: {  	[tilespmem:s17+$0x40] =	vst v2;
	v2 =	vld [tilespmem:s19+$0x90]  }
0x5a: {  	[tilespmem:s17+$0x50] =	vst v0;
	v5 =	vld [tilespmem:s19+$0xA0]  }
.Ltmp3:
0x5b: {  	[tilespmem:s17+$0x60] =	vst v1;
	v0 =	vld [tilespmem:s19+$0xB0];
	(pc) =	sbr.rel @p0 .LBB1_4-.Ltmp3, $4  }
0x5c: {  	[tilespmem:s17+$0x70] =	vst v3;
	v1 =	vld [tilespmem:s19+$0xC0]  }
0x5d: {  	[tilespmem:s17+$0x400] =	vst v4;
	v3 =	vld [tilespmem:s19+$0xD0]  }
0x5e: {  	[tilespmem:s17+$0x410] =	vst v2;
	v4 =	vld [tilespmem:s19+$0xE0]  }
0x5f: {  	v2 =	vld [tilespmem:s19+$0xFFFFFF00];
	[tilespmem:s17+$0x420] =	vst v5;
	s19 =	sadd.s32 $0x200, s19  }
0x60: {  	s16 =	sadd.s32 $0x1, s16  }
0x61: {  	p0 =	sne.s32 s16, $0x8  }
.Ltmp4:
0x62: {  	[tilespmem:s17+$0x430] =	vst v0;
	(pc) =	sbr.rel @p0 .LBB1_3-.Ltmp4, $4  }
0x63: {  	[tilespmem:s17+$0x440] =	vst v1  }
0x64: {  	[tilespmem:s17+$0x450] =	vst v3  }
0x65: {  	[tilespmem:s17+$0x460] =	vst v4  }
0x66: {  	s14 =	sadd.s32 $0x800, s14;
	s15 =	sadd.s32 $0x80, s15;
	[tilespmem:s17+$0xFFFFF800] =	vst v2  }
.Ltmp5:
0x67: {  	s14 =	sshll.u32 s12, $0x4;
	(pc) =	sbr.rel .LBB1_7-.Ltmp5, $4  }
0x68: {  	s31 =	sshll.u32 s12, $0x8;
	s14 =	sand.u32 $0x70, s14  }
0x69: {  	s12 =	sand.u32 $0xFF800, s31;
	s14 =	sadd.s32 s4, s14  }
0x6a: {  	s12 =	sadd.s32 s12, s14  }
0x6b: {  	[hbm4b:s12+s8] =	stream.linear.scatter [tilespmem:s13], [sflag:$0x2], $0x4000, $0x38;
	[tilespmem:$0x10000] =	vst v63  }
.LBB1_8:
0x6c: {  	_ =	sfence.sel $0x180000  }
0x6d: {  	s2 =	simm.s32 $0x1;
	[bflag:$0x0] =	sbarrier.arrive $0xFFFF  }
0x6e: {  	s31 =	simm.s32 $0x2;
	[sflag:s2] =	ssyncpa.u1 $0x1  }
0x6f: {  	[sflag:s31] =	ssyncpa.u1 $0x1  }
0x70: {  	p0 =	sne.s32 s0, $0x0;
	_ =	strace $0x90000047  }
0x71: {  	s0 =	sadd.s32 @!p0 $0x100000, s1;
	[bflag:$0x2] =	sbarrier.arrive $0xFFFF  }
0x72: {  	[sflag:s0] =	ssyncadd.tile.s32 @!p0 $0x1;
	_ =	shalt  }
.Lfunc_end1:
_tile_overlayer_lowered:
.L_overlay_start_2:
0x73: {  	(tag) =	ssettag $0x2  }
0x74: {  	s0 =	rddreg [dreg:$0x0];
	s2 =	stileid.u32  }
0x75: {  	s1 =	rddreg [dreg:$0x1];
	p0 =	sne.s32 s2, $0x0  }
0x76: {  	s3 =	rddreg [dreg:$0x2];
	[bflag:$0x3] =	sbarrier.arrive $0xFFFF;
	s2 =	simm.s32 @!p0 $0x1C01  }
0x77: {  	[timem:s3], [sflag:s2] =	dma.local @!p0 [hbm:s0], s1  }
0x78: {  	s0 =	simm.s32 @!p0 $0x1  }
0x79: {  	_ =	swait.ge @!p0 [sflag:s0], s1  }
0x7a: {  	s1 =	ssub.s32 @!p0 $0x0, s1;
	[sflag:s0] =	ssyncset.done @!p0 $0x0  }
0x7b: {  	[sflag:s0] =	ssyncadd.s32 @!p0 s1  }
0x7c: {  	[bflag:$0x3] =	sbarrier.arrive $0xFFFF  }
0x7d: {  	_ =	shalt  }

</sc_bundles>
